<compile_context>
chip_gen: v7x
topology: tpu7x:2x2x1
jax: 0.10.2.dev20260603
libtpu: 0.0.44.dev20260713+nightly
codegen_flags: <defaults>
</compile_context>

<pallas_src>
import functools

import jax
import jax.numpy as jnp
from jax import lax
from jax.experimental import pallas as pl
from jax.experimental.pallas import tpu as pltpu
from jax.experimental.pallas import tpu_sc as plsc

_TEMPERATURE = 11.3137
_NUM_SAMPLED = 1024
_EPS = 1e-06

_B = 4
_S = 4096
_SV = 4095
_NEARLY = _NUM_SAMPLED + 1
_ETILE = 128
_NET = 9


def _rank_kernel(sig_ref, rank_ref):
    row = sig_ref[0, 0, :]
    jidx = lax.broadcasted_iota(jnp.int32, (_ETILE, _SV), 1)
    allv = row[None, :]
    iota_e = lax.broadcasted_iota(jnp.int32, (_ETILE, 1), 0)
    for et in range(_NET):
        ev = sig_ref[0, 0, pl.ds(et * _ETILE, _ETILE)]
        eidx = et * _ETILE + iota_e
        evc = ev[:, None]
        lt = allv < evc
        eq_before = (allv == evc) & (jidx < eidx)
        cnt = jnp.sum((lt | eq_before).astype(jnp.int32), axis=1)
        rank_ref[0, 0, pl.ds(et * _ETILE, _ETILE)] = cnt


@functools.lru_cache(maxsize=1)
def _make_scatter_kernel():
    mesh = plsc.VectorSubcoreMesh(core_axis_name="c", subcore_axis_name="s")

    @functools.partial(
        pl.kernel,
        mesh=mesh,
        out_type=jax.ShapeDtypeStruct((_B, _S), jnp.float32),
        scratch_types=[
            pltpu.VMEM((_NET * _ETILE,), jnp.int32),
            pltpu.VMEM((_S,), jnp.float32),
        ],
        compiler_params=pltpu.CompilerParams(needs_layout_passes=False),
    )
    def scatter_kernel(ranks_hbm, out_hbm, ranks_v, row_v):
        wid = lax.axis_index("s") * 2 + lax.axis_index("c")

        @pl.when(wid < _B)
        def _():
            pltpu.sync_copy(ranks_hbm.at[wid, 0], ranks_v)
            zeros16 = jnp.zeros((16,), jnp.float32)

            def zero_body(i, _):
                row_v[pl.ds(i * 16, 16)] = zeros16
                return 0

            lax.fori_loop(0, _S // 16, zero_body, 0)

            ones16 = jnp.ones((16,), jnp.float32)
            lane = lax.iota(jnp.int32, 16)

            def scat_body(i, _):
                r16 = ranks_v[pl.ds(i * 16, 16)]
                pos = i * 16 + lane
                valid = pos < _NEARLY
                plsc.store_scatter(row_v, [r16 + 1], ones16, mask=valid)
                return 0

            lax.fori_loop(0, _NET * _ETILE // 16, scat_body, 0)

            head = row_v[pl.ds(0, 16)]
            row_v[pl.ds(0, 16)] = jnp.where(lane == 0, 1.0, head)
            pltpu.sync_copy(row_v, out_hbm.at[wid])

    return scatter_kernel


def kernel(q, k, v, token_mask):
    attn = jnp.matmul(q[..., :1, :], jnp.swapaxes(k, -2, -1)) / _TEMPERATURE
    attn = attn - jnp.max(attn, axis=-1, keepdims=True)
    batch_size, seq_length = token_mask.shape
    attn_mask = token_mask.reshape(batch_size, 1, 1, seq_length)
    attn = jnp.exp(attn) * attn_mask
    attn = (attn + _EPS / seq_length) / (jnp.sum(attn, axis=-1, keepdims=True) + _EPS)
    sig = jnp.sum(attn[:, :, 0], axis=1)
    sig = sig[:, 1:]
    sig = sig / jnp.sum(sig, axis=1, keepdims=True)

    ranks = pl.pallas_call(
        _rank_kernel,
        grid=(_B,),
        in_specs=[pl.BlockSpec((1, 1, _SV), lambda b: (b, 0, 0))],
        out_specs=pl.BlockSpec((1, 1, _NET * _ETILE), lambda b: (b, 0, 0)),
        out_shape=jax.ShapeDtypeStruct((_B, 1, _NET * _ETILE), jnp.int32),
    )(sig.reshape(_B, 1, _SV))

    onehot = _make_scatter_kernel()(ranks)
    return onehot != 0.0

# --- scband reference (transcript-rebuilt; emitter-appended) ---
"""Pipeline reference for scband-top-sampler-5076651343923 (READ-ONLY COPY).

The authoritative reference and input builder live on the scoring server;
editing this copy changes nothing except your own understanding.
"""

import jax, jax.numpy as jnp
import numpy as np

TEMPERATURE = 11.3137
NUM_SAMPLED = 1024
EPS = 1e-06


def setup_inputs(seed: int = 0) -> dict:
    key = jax.random.key(seed)
    k1, k2, k3 = jax.random.split(key, 3)
    q = jax.random.normal(k1, (4, 32, 4096, 128), dtype=jnp.float32)
    k = jax.random.normal(k2, (4, 32, 4096, 128), dtype=jnp.float32)
    v = jax.random.normal(k3, (4, 32, 4096, 128), dtype=jnp.float32)
    token_mask = jnp.ones((4, 4096), dtype=jnp.float32)
    return {"q": q, "k": k, "v": v, "token_mask": token_mask}


def reference(q, k, v, token_mask):
    # get_attention: contribution of all tokens to the class token
    attn = jnp.matmul(q[..., :1, :], jnp.swapaxes(k, -2, -1)) / TEMPERATURE  # [B,H,1,S]
    attn = attn - jnp.max(attn, axis=-1, keepdims=True)
    batch_size, seq_length = token_mask.shape
    attn_mask = token_mask.reshape(batch_size, 1, 1, seq_length)
    attn = jnp.exp(attn) * attn_mask
    attn = (attn + EPS / seq_length) / (jnp.sum(attn, axis=-1, keepdims=True) + EPS)
    # significance score: sum over heads of the class-token row
    significance_score = jnp.sum(attn[:, :, 0], axis=1)  # [B, S]
    significance_score = significance_score[:, 1:]
    significance_score = significance_score / jnp.sum(significance_score, axis=1, keepdims=True)
    # ascending sort -> indices (matches torch.sort default)
    index = jnp.argsort(significance_score, axis=-1)
    index = jnp.concatenate([jnp.zeros_like(index[..., :1]), index + 1], axis=-1)
    token_mask_out = index <= (NUM_SAMPLED + 1)
    return token_mask_out

if __name__ == "__main__":
    import jax
    _d = setup_inputs()
    print(jax.jit(kernel)(*tuple(_d.values())))

</pallas_src>

<mosaic_0001>
#map = affine_map<(d0, d1) -> (0, 0, 0)>
#map1 = affine_map<(d0, d1) -> (0, 0)>
module attributes {stable_mosaic.version = 14 : i64} {
  func.func @scatter_kernel(%arg0: i32, %arg1: i32, %arg2: memref<4x1x1152xi32, #tpu.memory_space<hbm>>, %arg3: memref<4x4096xf32, #tpu.memory_space<hbm>>, %arg4: memref<1152xi32, #tpu.memory_space<vmem>>, %arg5: memref<4096xf32, #tpu.memory_space<vmem>>) attributes {dimension_semantics = [#tpu.dimension_semantics<core_parallel>, #tpu.dimension_semantics<subcore_parallel>], iteration_bounds = array<i64: 2, 16>, scalar_prefetch = 0 : i64, scratch_operands = 2 : i64, tpu.core_type = #tpu.core_type<sc_vector_subcore>, window_params = [{transform_indices = #map}, {transform_indices = #map1}]} {
    %mul3A = arith.constant 2 : i32
    %mul3A_0 = arith.muli %arg1, %mul3A : i32
    %add3A = arith.addi %mul3A_0, %arg0 : i32
    %lt3A = arith.constant 4 : i32
    %lt3A_1 = arith.cmpi slt, %add3A, %lt3A : i32
    %convert_element_type3A = arith.extui %lt3A_1 : i1 to i32
    %cond3A = arith.constant 0 : i32
    %cond3A_2 = arith.cmpi ne, %convert_element_type3A, %cond3A : i32
    scf.if %cond3A_2 {
      %run_scoped3A = arith.constant 0 : i32
      "tpu.region"() ({
        %run_scoped3A_24 = tpu.sem_alloc : memref<!tpu.dma_semaphore, #tpu.memory_space<semaphore_mem>>
        %dma_start3A = arith.constant 0 : i32
        %dma_start3A_25 = tpu.memref_slice %arg2[%add3A, %run_scoped3A, %dma_start3A] : memref<4x1x1152xi32, #tpu.memory_space<hbm>> -> memref<1x1x1152xi32, #tpu.memory_space<hbm>>
        %dma_start3A_26 = tpu.memref_squeeze %dma_start3A_25 : memref<1x1x1152xi32, #tpu.memory_space<hbm>> -> memref<1152xi32, #tpu.memory_space<hbm>>
        %dma_start3A_27 = arith.constant 0 : i32
        %dma_start3A_28 = tpu.memref_slice %arg2[%add3A, %run_scoped3A, %dma_start3A_27] : memref<4x1x1152xi32, #tpu.memory_space<hbm>> -> memref<1x1x1152xi32, #tpu.memory_space<hbm>>
        %dma_start3A_29 = tpu.memref_squeeze %dma_start3A_28 : memref<1x1x1152xi32, #tpu.memory_space<hbm>> -> memref<1152xi32, #tpu.memory_space<hbm>>
        tpu.enqueue_dma source(%dma_start3A_29 : memref<1152xi32, #tpu.memory_space<hbm>>) target(%arg4 : memref<1152xi32, #tpu.memory_space<vmem>>) target_semaphore(%run_scoped3A_24 : memref<!tpu.dma_semaphore, #tpu.memory_space<semaphore_mem>>)
        %dma_wait3A = arith.constant 0 : i32
        %dma_wait3A_30 = tpu.memref_slice %arg2[%add3A, %run_scoped3A, %dma_wait3A] : memref<4x1x1152xi32, #tpu.memory_space<hbm>> -> memref<1x1x1152xi32, #tpu.memory_space<hbm>>
        %dma_wait3A_31 = tpu.memref_squeeze %dma_wait3A_30 : memref<1x1x1152xi32, #tpu.memory_space<hbm>> -> memref<1152xi32, #tpu.memory_space<hbm>>
        %dma_wait3A_32 = arith.constant 0 : i32
        %dma_wait3A_33 = tpu.memref_slice %arg2[%add3A, %run_scoped3A, %dma_wait3A_32] : memref<4x1x1152xi32, #tpu.memory_space<hbm>> -> memref<1x1x1152xi32, #tpu.memory_space<hbm>>
        %dma_wait3A_34 = tpu.memref_squeeze %dma_wait3A_33 : memref<1x1x1152xi32, #tpu.memory_space<hbm>> -> memref<1152xi32, #tpu.memory_space<hbm>>
        tpu.wait_dma2 semaphore(%run_scoped3A_24 : memref<!tpu.dma_semaphore, #tpu.memory_space<semaphore_mem>>) src(%dma_wait3A_34 : memref<1152xi32, #tpu.memory_space<hbm>>) dst(%arg4 : memref<1152xi32, #tpu.memory_space<vmem>>)
        tpu.yield
      }) : () -> ()
      %broadcast_in_dim3A = arith.constant 0.000000e+00 : f32
      %broadcast_in_dim3A_3 = vector.broadcast %broadcast_in_dim3A : f32 to vector<16xf32>
      %scan3A = arith.constant 0 : i32
      %scan3A_4 = arith.constant 0 : i32
      %scan3A_5 = arith.constant 256 : i32
      %scan3A_6 = arith.addi %scan3A_4, %scan3A_5 : i32
      %scan3A_7 = arith.constant 1 : i32
      %scan3A_8 = scf.for %scan3A_24 = %scan3A_4 to %scan3A_6 step %scan3A_7 iter_args(%scan3A_25 = %scan3A) -> (i32)  : i32 {
        %mul3A_26 = arith.constant 16 : i32
        %mul3A_27 = arith.muli %scan3A_24, %mul3A_26 : i32
        %swap3A_28 = arith.index_cast %mul3A_27 : i32 to index
        %swap3A_29 = tpu.vector_load %arg5[%swap3A_28] {strides = array<i32>} : memref<4096xf32, #tpu.memory_space<vmem>>, vector<16xf32>,
        tpu.vector_store %arg5[%swap3A_28], %broadcast_in_dim3A_3 {strides = array<i32>} : memref<4096xf32, #tpu.memory_space<vmem>>, vector<16xf32>,
        %scan3A_30 = arith.constant 0 : i32
        scf.yield %scan3A_30 : i32
      }
      %scan3A_9 = arith.constant 256 : i32
      %broadcast_in_dim3A_10 = arith.constant 1.000000e+00 : f32
      %broadcast_in_dim3A_11 = vector.broadcast %broadcast_in_dim3A_10 : f32 to vector<16xf32>
      %iota3A = tpu.iota {dimensions = array<i32: 0>} : vector<16xi32>
      %scan3A_12 = arith.constant 0 : i32
      %scan3A_13 = arith.constant 0 : i32
      %scan3A_14 = arith.constant 72 : i32
      %scan3A_15 = arith.addi %scan3A_13, %scan3A_14 : i32
      %scan3A_16 = arith.constant 1 : i32
      %scan3A_17 = scf.for %scan3A_24 = %scan3A_13 to %scan3A_15 step %scan3A_16 iter_args(%scan3A_25 = %scan3A_12) -> (i32)  : i32 {
        %mul3A_26 = arith.constant 16 : i32
        %mul3A_27 = arith.muli %scan3A_24, %mul3A_26 : i32
        %get3A_28 = arith.index_cast %mul3A_27 : i32 to index
        %get3A_29 = tpu.vector_load %arg4[%get3A_28] {strides = array<i32>} : memref<1152xi32, #tpu.memory_space<vmem>>, vector<16xi32>,
        %mul3A_30 = arith.constant 16 : i32
        %mul3A_31 = arith.muli %scan3A_24, %mul3A_30 : i32
        %add3A_32 = vector.broadcast %mul3A_31 : i32 to vector<16xi32>
        %add3A_33 = arith.addi %add3A_32, %iota3A : vector<16xi32>
        %lt3A_34 = arith.constant 1025 : i32
        %lt3A_35 = vector.broadcast %lt3A_34 : i32 to vector<16xi32>
        %lt3A_36 = arith.cmpi slt, %add3A_33, %lt3A_35 : vector<16xi32>
        %add3A_37 = arith.constant 1 : i32
        %add3A_38 = vector.broadcast %add3A_37 : i32 to vector<16xi32>
        %add3A_39 = arith.addi %get3A_29, %add3A_38 : vector<16xi32>
        tpu.vector_store_idx %arg5[%add3A_39], %broadcast_in_dim3A_11 masked %lt3A_36 : memref<4096xf32, #tpu.memory_space<vmem>>[vector<16xi32>], vector<16xf32>, vector<16xi1>
        %scan3A_40 = arith.constant 0 : i32
        scf.yield %scan3A_40 : i32
      }
      %scan3A_18 = arith.constant 72 : i32
      %get3A = arith.constant 0 : index
      %get3A_19 = tpu.vector_load %arg5[%get3A] {strides = array<i32>} : memref<4096xf32, #tpu.memory_space<vmem>>, vector<16xf32>,
      %eq3A = arith.constant 0 : i32
      %eq3A_20 = vector.broadcast %eq3A : i32 to vector<16xi32>
      %eq3A_21 = arith.cmpi eq, %iota3A, %eq3A_20 : vector<16xi32>
      %jit3A = arith.constant 1.000000e+00 : f32
      %broadcast_in_dim3A_22 = vector.broadcast %jit3A : f32 to vector<16xf32>
      %select_n3A = arith.select %eq3A_21, %broadcast_in_dim3A_22, %get3A_19 : vector<16xi1>, vector<16xf32>
      %swap3A = arith.constant 0 : index
      %swap3A_23 = tpu.vector_load %arg5[%swap3A] {strides = array<i32>} : memref<4096xf32, #tpu.memory_space<vmem>>, vector<16xf32>,
      tpu.vector_store %arg5[%swap3A], %select_n3A {strides = array<i32>} : memref<4096xf32, #tpu.memory_space<vmem>>, vector<16xf32>,
      "tpu.region"() ({
        %run_scoped3A_24 = tpu.sem_alloc : memref<!tpu.dma_semaphore, #tpu.memory_space<semaphore_mem>>
        %dma_start3A = arith.constant 0 : i32
        %dma_start3A_25 = tpu.memref_slice %arg3[%add3A, %dma_start3A] : memref<4x4096xf32, #tpu.memory_space<hbm>> -> memref<1x4096xf32, #tpu.memory_space<hbm>>
        %dma_start3A_26 = tpu.memref_squeeze %dma_start3A_25 : memref<1x4096xf32, #tpu.memory_space<hbm>> -> memref<4096xf32, #tpu.memory_space<hbm>>
        %dma_start3A_27 = arith.constant 0 : i32
        %dma_start3A_28 = tpu.memref_slice %arg3[%add3A, %dma_start3A_27] : memref<4x4096xf32, #tpu.memory_space<hbm>> -> memref<1x4096xf32, #tpu.memory_space<hbm>>
        %dma_start3A_29 = tpu.memref_squeeze %dma_start3A_28 : memref<1x4096xf32, #tpu.memory_space<hbm>> -> memref<4096xf32, #tpu.memory_space<hbm>>
        tpu.enqueue_dma source(%arg5 : memref<4096xf32, #tpu.memory_space<vmem>>) target(%dma_start3A_29 : memref<4096xf32, #tpu.memory_space<hbm>>) target_semaphore(%run_scoped3A_24 : memref<!tpu.dma_semaphore, #tpu.memory_space<semaphore_mem>>)
        %dma_wait3A = arith.constant 0 : i32
        %dma_wait3A_30 = tpu.memref_slice %arg3[%add3A, %dma_wait3A] : memref<4x4096xf32, #tpu.memory_space<hbm>> -> memref<1x4096xf32, #tpu.memory_space<hbm>>
        %dma_wait3A_31 = tpu.memref_squeeze %dma_wait3A_30 : memref<1x4096xf32, #tpu.memory_space<hbm>> -> memref<4096xf32, #tpu.memory_space<hbm>>
        %dma_wait3A_32 = arith.constant 0 : i32
        %dma_wait3A_33 = tpu.memref_slice %arg3[%add3A, %dma_wait3A_32] : memref<4x4096xf32, #tpu.memory_space<hbm>> -> memref<1x4096xf32, #tpu.memory_space<hbm>>
        %dma_wait3A_34 = tpu.memref_squeeze %dma_wait3A_33 : memref<1x4096xf32, #tpu.memory_space<hbm>> -> memref<4096xf32, #tpu.memory_space<hbm>>
        tpu.wait_dma2 semaphore(%run_scoped3A_24 : memref<!tpu.dma_semaphore, #tpu.memory_space<semaphore_mem>>) src(%arg5 : memref<4096xf32, #tpu.memory_space<vmem>>) dst(%dma_wait3A_34 : memref<4096xf32, #tpu.memory_space<hbm>>)
        tpu.yield
      }) : () -> ()
    } else {
    }
    return
  }
}

module attributes {stable_mosaic.version = 14 : i64} {
  func.func @_rank_kernel(%arg0: i32, %arg1: memref<1x1x4095xf32, #tpu.memory_space<vmem>>, %arg2: memref<1x1x1152xi32, #tpu.memory_space<vmem>>) attributes {dimension_semantics = [#tpu.dimension_semantics<arbitrary>], iteration_bounds = array<i64: 4>, scalar_prefetch = 0 : i64, scratch_operands = 0 : i64, tpu.core_type = #tpu.core_type<tc>, window_params = [{transform_indices = @transform_0, window_bounds = array<i64: 1, 1, 4095>}, {transform_indices = @transform_1, window_bounds = array<i64: 1, 1, 1152>}]} {
    %get3A = arith.constant 0 : index
    %get3A_0 = arith.constant 0 : index
    %get3A_1 = arith.constant 0 : index
    %get3A_2 = vector.load %arg1[%get3A, %get3A_0, %get3A_1] : memref<1x1x4095xf32, #tpu.memory_space<vmem>>, vector<1x1x4095xf32>
    %get3A_3 = vector.shape_cast %get3A_2 : vector<1x1x4095xf32> to vector<4095xf32>
    %iota3A = tpu.iota {dimensions = array<i32: 1>} : vector<128x4095xi32>
    %broadcast_in_dim3A = vector.shape_cast %get3A_3 : vector<4095xf32> to vector<1x4095xf32>
    %iota3A_4 = tpu.iota {dimensions = array<i32: 0>} : vector<128x1xi32>
    %get3A_5 = arith.constant 0 : index
    %get3A_6 = arith.constant 0 : index
    %get3A_7 = arith.constant 0 : index
    %get3A_8 = vector.load %arg1[%get3A_5, %get3A_6, %get3A_7] : memref<1x1x4095xf32, #tpu.memory_space<vmem>>, vector<1x1x128xf32>
    %get3A_9 = vector.shape_cast %get3A_8 : vector<1x1x128xf32> to vector<128xf32>
    %add3A = arith.constant 0 : i32
    %add3A_10 = vector.broadcast %add3A : i32 to vector<128x1xi32>
    %add3A_11 = arith.addi %add3A_10, %iota3A_4 : vector<128x1xi32>
    %broadcast_in_dim3A_12 = vector.shape_cast %get3A_9 : vector<128xf32> to vector<128x1xf32>
    %lt3A = vector.broadcast %broadcast_in_dim3A : vector<1x4095xf32> to vector<128x4095xf32>
    %lt3A_13 = vector.broadcast %broadcast_in_dim3A_12 : vector<128x1xf32> to vector<128x4095xf32>
    %lt3A_14 = arith.cmpf olt, %lt3A, %lt3A_13 : vector<128x4095xf32>
    %eq3A = vector.broadcast %broadcast_in_dim3A : vector<1x4095xf32> to vector<128x4095xf32>
    %eq3A_15 = vector.broadcast %broadcast_in_dim3A_12 : vector<128x1xf32> to vector<128x4095xf32>
    %eq3A_16 = arith.cmpf oeq, %eq3A, %eq3A_15 : vector<128x4095xf32>
    %lt3A_17 = vector.broadcast %add3A_11 : vector<128x1xi32> to vector<128x4095xi32>
    %lt3A_18 = arith.cmpi slt, %iota3A, %lt3A_17 : vector<128x4095xi32>
    %and3A = arith.andi %eq3A_16, %lt3A_18 : vector<128x4095xi1>
    %or3A = arith.ori %lt3A_14, %and3A : vector<128x4095xi1>
    %convert_element_type3A = arith.extui %or3A : vector<128x4095xi1> to vector<128x4095xi32>
    %reduce_sum3A = arith.constant dense<0> : vector<128xi32>
    %reduce_sum3A_19 = vector.multi_reduction <add>, %convert_element_type3A, %reduce_sum3A [1] : vector<128x4095xi32> to vector<128xi32>
    %swap3A = arith.constant 0 : index
    %swap3A_20 = arith.constant 0 : index
    %swap3A_21 = arith.constant 0 : index
    %swap3A_22 = vector.load %arg2[%swap3A, %swap3A_20, %swap3A_21] : memref<1x1x1152xi32, #tpu.memory_space<vmem>>, vector<1x1x128xi32>
    %swap3A_23 = vector.shape_cast %swap3A_22 : vector<1x1x128xi32> to vector<128xi32>
    %swap3A_24 = vector.shape_cast %reduce_sum3A_19 : vector<128xi32> to vector<1x1x128xi32>
    tpu.vector_store %arg2[%swap3A, %swap3A_20, %swap3A_21], %swap3A_24 {strides = array<i32>} : memref<1x1x1152xi32, #tpu.memory_space<vmem>>, vector<1x1x128xi32>,
    %get3A_25 = arith.constant 0 : index
    %get3A_26 = arith.constant 0 : index
    %get3A_27 = arith.constant 128 : index
    %get3A_28 = vector.load %arg1[%get3A_25, %get3A_26, %get3A_27] : memref<1x1x4095xf32, #tpu.memory_space<vmem>>, vector<1x1x128xf32>
    %get3A_29 = vector.shape_cast %get3A_28 : vector<1x1x128xf32> to vector<128xf32>
    %add3A_30 = arith.constant 128 : i32
    %add3A_31 = vector.broadcast %add3A_30 : i32 to vector<128x1xi32>
    %add3A_32 = arith.addi %add3A_31, %iota3A_4 : vector<128x1xi32>
    %broadcast_in_dim3A_33 = vector.shape_cast %get3A_29 : vector<128xf32> to vector<128x1xf32>
    %lt3A_34 = vector.broadcast %broadcast_in_dim3A : vector<1x4095xf32> to vector<128x4095xf32>
    %lt3A_35 = vector.broadcast %broadcast_in_dim3A_33 : vector<128x1xf32> to vector<128x4095xf32>
    %lt3A_36 = arith.cmpf olt, %lt3A_34, %lt3A_35 : vector<128x4095xf32>
    %eq3A_37 = vector.broadcast %broadcast_in_dim3A : vector<1x4095xf32> to vector<128x4095xf32>
    %eq3A_38 = vector.broadcast %broadcast_in_dim3A_33 : vector<128x1xf32> to vector<128x4095xf32>
    %eq3A_39 = arith.cmpf oeq, %eq3A_37, %eq3A_38 : vector<128x4095xf32>
    %lt3A_40 = vector.broadcast %add3A_32 : vector<128x1xi32> to vector<128x4095xi32>
    %lt3A_41 = arith.cmpi slt, %iota3A, %lt3A_40 : vector<128x4095xi32>
    %and3A_42 = arith.andi %eq3A_39, %lt3A_41 : vector<128x4095xi1>
    %or3A_43 = arith.ori %lt3A_36, %and3A_42 : vector<128x4095xi1>
    %convert_element_type3A_44 = arith.extui %or3A_43 : vector<128x4095xi1> to vector<128x4095xi32>
    %reduce_sum3A_45 = arith.constant dense<0> : vector<128xi32>
    %reduce_sum3A_46 = vector.multi_reduction <add>, %convert_element_type3A_44, %reduce_sum3A_45 [1] : vector<128x4095xi32> to vector<128xi32>
    %swap3A_47 = arith.constant 0 : index
    %swap3A_48 = arith.constant 0 : index
    %swap3A_49 = arith.constant 128 : index
    %swap3A_50 = vector.load %arg2[%swap3A_47, %swap3A_48, %swap3A_49] : memref<1x1x1152xi32, #tpu.memory_space<vmem>>, vector<1x1x128xi32>
    %swap3A_51 = vector.shape_cast %swap3A_50 : vector<1x1x128xi32> to vector<128xi32>
    %swap3A_52 = vector.shape_cast %reduce_sum3A_46 : vector<128xi32> to vector<1x1x128xi32>
    tpu.vector_store %arg2[%swap3A_47, %swap3A_48, %swap3A_49], %swap3A_52 {strides = array<i32>} : memref<1x1x1152xi32, #tpu.memory_space<vmem>>, vector<1x1x128xi32>,
    %get3A_53 = arith.constant 0 : index
    %get3A_54 = arith.constant 0 : index
    %get3A_55 = arith.constant 256 : index
    %get3A_56 = vector.load %arg1[%get3A_53, %get3A_54, %get3A_55] : memref<1x1x4095xf32, #tpu.memory_space<vmem>>, vector<1x1x128xf32>
    %get3A_57 = vector.shape_cast %get3A_56 : vector<1x1x128xf32> to vector<128xf32>
    %add3A_58 = arith.constant 256 : i32
    %add3A_59 = vector.broadcast %add3A_58 : i32 to vector<128x1xi32>
    %add3A_60 = arith.addi %add3A_59, %iota3A_4 : vector<128x1xi32>
    %broadcast_in_dim3A_61 = vector.shape_cast %get3A_57 : vector<128xf32> to vector<128x1xf32>
    %lt3A_62 = vector.broadcast %broadcast_in_dim3A : vector<1x4095xf32> to vector<128x4095xf32>
    %lt3A_63 = vector.broadcast %broadcast_in_dim3A_61 : vector<128x1xf32> to vector<128x4095xf32>
    %lt3A_64 = arith.cmpf olt, %lt3A_62, %lt3A_63 : vector<128x4095xf32>
    %eq3A_65 = vector.broadcast %broadcast_in_dim3A : vector<1x4095xf32> to vector<128x4095xf32>
    %eq3A_66 = vector.broadcast %broadcast_in_dim3A_61 : vector<128x1xf32> to vector<128x4095xf32>
    %eq3A_67 = arith.cmpf oeq, %eq3A_65, %eq3A_66 : vector<128x4095xf32>
    %lt3A_68 = vector.broadcast %add3A_60 : vector<128x1xi32> to vector<128x4095xi32>
    %lt3A_69 = arith.cmpi slt, %iota3A, %lt3A_68 : vector<128x4095xi32>
    %and3A_70 = arith.andi %eq3A_67, %lt3A_69 : vector<128x4095xi1>
    %or3A_71 = arith.ori %lt3A_64, %and3A_70 : vector<128x4095xi1>
    %convert_element_type3A_72 = arith.extui %or3A_71 : vector<128x4095xi1> to vector<128x4095xi32>
    %reduce_sum3A_73 = arith.constant dense<0> : vector<128xi32>
    %reduce_sum3A_74 = vector.multi_reduction <add>, %convert_element_type3A_72, %reduce_sum3A_73 [1] : vector<128x4095xi32> to vector<128xi32>
    %swap3A_75 = arith.constant 0 : index
    %swap3A_76 = arith.constant 0 : index
    %swap3A_77 = arith.constant 256 : index
    %swap3A_78 = vector.load %arg2[%swap3A_75, %swap3A_76, %swap3A_77] : memref<1x1x1152xi32, #tpu.memory_space<vmem>>, vector<1x1x128xi32>
    %swap3A_79 = vector.shape_cast %swap3A_78 : vector<1x1x128xi32> to vector<128xi32>
    %swap3A_80 = vector.shape_cast %reduce_sum3A_74 : vector<128xi32> to vector<1x1x128xi32>
    tpu.vector_store %arg2[%swap3A_75, %swap3A_76, %swap3A_77], %swap3A_80 {strides = array<i32>} : memref<1x1x1152xi32, #tpu.memory_space<vmem>>, vector<1x1x128xi32>,
    %get3A_81 = arith.constant 0 : index
    %get3A_82 = arith.constant 0 : index
    %get3A_83 = arith.constant 384 : index
    %get3A_84 = vector.load %arg1[%get3A_81, %get3A_82, %get3A_83] : memref<1x1x4095xf32, #tpu.memory_space<vmem>>, vector<1x1x128xf32>
    %get3A_85 = vector.shape_cast %get3A_84 : vector<1x1x128xf32> to vector<128xf32>
    %add3A_86 = arith.constant 384 : i32
    %add3A_87 = vector.broadcast %add3A_86 : i32 to vector<128x1xi32>
    %add3A_88 = arith.addi %add3A_87, %iota3A_4 : vector<128x1xi32>
    %broadcast_in_dim3A_89 = vector.shape_cast %get3A_85 : vector<128xf32> to vector<128x1xf32>
    %lt3A_90 = vector.broadcast %broadcast_in_dim3A : vector<1x4095xf32> to vector<128x4095xf32>
    %lt3A_91 = vector.broadcast %broadcast_in_dim3A_89 : vector<128x1xf32> to vector<128x4095xf32>
    %lt3A_92 = arith.cmpf olt, %lt3A_90, %lt3A_91 : vector<128x4095xf32>
    %eq3A_93 = vector.broadcast %broadcast_in_dim3A : vector<1x4095xf32> to vector<128x4095xf32>
    %eq3A_94 = vector.broadcast %broadcast_in_dim3A_89 : vector<128x1xf32> to vector<128x4095xf32>
    %eq3A_95 = arith.cmpf oeq, %eq3A_93, %eq3A_94 : vector<128x4095xf32>
    %lt3A_96 = vector.broadcast %add3A_88 : vector<128x1xi32> to vector<128x4095xi32>
    %lt3A_97 = arith.cmpi slt, %iota3A, %lt3A_96 : vector<128x4095xi32>
    %and3A_98 = arith.andi %eq3A_95, %lt3A_97 : vector<128x4095xi1>
    %or3A_99 = arith.ori %lt3A_92, %and3A_98 : vector<128x4095xi1>
    %convert_element_type3A_100 = arith.extui %or3A_99 : vector<128x4095xi1> to vector<128x4095xi32>
    %reduce_sum3A_101 = arith.constant dense<0> : vector<128xi32>
    %reduce_sum3A_102 = vector.multi_reduction <add>, %convert_element_type3A_100, %reduce_sum3A_101 [1] : vector<128x4095xi32> to vector<128xi32>
    %swap3A_103 = arith.constant 0 : index
    %swap3A_104 = arith.constant 0 : index
    %swap3A_105 = arith.constant 384 : index
    %swap3A_106 = vector.load %arg2[%swap3A_103, %swap3A_104, %swap3A_105] : memref<1x1x1152xi32, #tpu.memory_space<vmem>>, vector<1x1x128xi32>
    %swap3A_107 = vector.shape_cast %swap3A_106 : vector<1x1x128xi32> to vector<128xi32>
    %swap3A_108 = vector.shape_cast %reduce_sum3A_102 : vector<128xi32> to vector<1x1x128xi32>
    tpu.vector_store %arg2[%swap3A_103, %swap3A_104, %swap3A_105], %swap3A_108 {strides = array<i32>} : memref<1x1x1152xi32, #tpu.memory_space<vmem>>, vector<1x1x128xi32>,
    %get3A_109 = arith.constant 0 : index
    %get3A_110 = arith.constant 0 : index
    %get3A_111 = arith.constant 512 : index
    %get3A_112 = vector.load %arg1[%get3A_109, %get3A_110, %get3A_111] : memref<1x1x4095xf32, #tpu.memory_space<vmem>>, vector<1x1x128xf32>
    %get3A_113 = vector.shape_cast %get3A_112 : vector<1x1x128xf32> to vector<128xf32>
    %add3A_114 = arith.constant 512 : i32
    %add3A_115 = vector.broadcast %add3A_114 : i32 to vector<128x1xi32>
    %add3A_116 = arith.addi %add3A_115, %iota3A_4 : vector<128x1xi32>
    %broadcast_in_dim3A_117 = vector.shape_cast %get3A_113 : vector<128xf32> to vector<128x1xf32>
    %lt3A_118 = vector.broadcast %broadcast_in_dim3A : vector<1x4095xf32> to vector<128x4095xf32>
    %lt3A_119 = vector.broadcast %broadcast_in_dim3A_117 : vector<128x1xf32> to vector<128x4095xf32>
    %lt3A_120 = arith.cmpf olt, %lt3A_118, %lt3A_119 : vector<128x4095xf32>
    %eq3A_121 = vector.broadcast %broadcast_in_dim3A : vector<1x4095xf32> to vector<128x4095xf32>
    %eq3A_122 = vector.broadcast %broadcast_in_dim3A_117 : vector<128x1xf32> to vector<128x4095xf32>
    %eq3A_123 = arith.cmpf oeq, %eq3A_121, %eq3A_122 : vector<128x4095xf32>
    %lt3A_124 = vector.broadcast %add3A_116 : vector<128x1xi32> to vector<128x4095xi32>
    %lt3A_125 = arith.cmpi slt, %iota3A, %lt3A_124 : vector<128x4095xi32>
    %and3A_126 = arith.andi %eq3A_123, %lt3A_125 : vector<128x4095xi1>
    %or3A_127 = arith.ori %lt3A_120, %and3A_126 : vector<128x4095xi1>
    %convert_element_type3A_128 = arith.extui %or3A_127 : vector<128x4095xi1> to vector<128x4095xi32>
    %reduce_sum3A_129 = arith.constant dense<0> : vector<128xi32>
    %reduce_sum3A_130 = vector.multi_reduction <add>, %convert_element_type3A_128, %reduce_sum3A_129 [1] : vector<128x4095xi32> to vector<128xi32>
    %swap3A_131 = arith.constant 0 : index
    %swap3A_132 = arith.constant 0 : index
    %swap3A_133 = arith.constant 512 : index
    %swap3A_134 = vector.load %arg2[%swap3A_131, %swap3A_132, %swap3A_133] : memref<1x1x1152xi32, #tpu.memory_space<vmem>>, vector<1x1x128xi32>
    %swap3A_135 = vector.shape_cast %swap3A_134 : vector<1x1x128xi32> to vector<128xi32>
    %swap3A_136 = vector.shape_cast %reduce_sum3A_130 : vector<128xi32> to vector<1x1x128xi32>
    tpu.vector_store %arg2[%swap3A_131, %swap3A_132, %swap3A_133], %swap3A_136 {strides = array<i32>} : memref<1x1x1152xi32, #tpu.memory_space<vmem>>, vector<1x1x128xi32>,
    %get3A_137 = arith.constant 0 : index
    %get3A_138 = arith.constant 0 : index
    %get3A_139 = arith.constant 640 : index
    %get3A_140 = vector.load %arg1[%get3A_137, %get3A_138, %get3A_139] : memref<1x1x4095xf32, #tpu.memory_space<vmem>>, vector<1x1x128xf32>
    %get3A_141 = vector.shape_cast %get3A_140 : vector<1x1x128xf32> to vector<128xf32>
    %add3A_142 = arith.constant 640 : i32
    %add3A_143 = vector.broadcast %add3A_142 : i32 to vector<128x1xi32>
    %add3A_144 = arith.addi %add3A_143, %iota3A_4 : vector<128x1xi32>
    %broadcast_in_dim3A_145 = vector.shape_cast %get3A_141 : vector<128xf32> to vector<128x1xf32>
    %lt3A_146 = vector.broadcast %broadcast_in_dim3A : vector<1x4095xf32> to vector<128x4095xf32>
    %lt3A_147 = vector.broadcast %broadcast_in_dim3A_145 : vector<128x1xf32> to vector<128x4095xf32>
    %lt3A_148 = arith.cmpf olt, %lt3A_146, %lt3A_147 : vector<128x4095xf32>
    %eq3A_149 = vector.broadcast %broadcast_in_dim3A : vector<1x4095xf32> to vector<128x4095xf32>
    %eq3A_150 = vector.broadcast %broadcast_in_dim3A_145 : vector<128x1xf32> to vector<128x4095xf32>
    %eq3A_151 = arith.cmpf oeq, %eq3A_149, %eq3A_150 : vector<128x4095xf32>
    %lt3A_152 = vector.broadcast %add3A_144 : vector<128x1xi32> to vector<128x4095xi32>
    %lt3A_153 = arith.cmpi slt, %iota3A, %lt3A_152 : vector<128x4095xi32>
    %and3A_154 = arith.andi %eq3A_151, %lt3A_153 : vector<128x4095xi1>
    %or3A_155 = arith.ori %lt3A_148, %and3A_154 : vector<128x4095xi1>
    %convert_element_type3A_156 = arith.extui %or3A_155 : vector<128x4095xi1> to vector<128x4095xi32>
    %reduce_sum3A_157 = arith.constant dense<0> : vector<128xi32>
    %reduce_sum3A_158 = vector.multi_reduction <add>, %convert_element_type3A_156, %reduce_sum3A_157 [1] : vector<128x4095xi32> to vector<128xi32>
    %swap3A_159 = arith.constant 0 : index
    %swap3A_160 = arith.constant 0 : index
    %swap3A_161 = arith.constant 640 : index
    %swap3A_162 = vector.load %arg2[%swap3A_159, %swap3A_160, %swap3A_161] : memref<1x1x1152xi32, #tpu.memory_space<vmem>>, vector<1x1x128xi32>
    %swap3A_163 = vector.shape_cast %swap3A_162 : vector<1x1x128xi32> to vector<128xi32>
    %swap3A_164 = vector.shape_cast %reduce_sum3A_158 : vector<128xi32> to vector<1x1x128xi32>
    tpu.vector_store %arg2[%swap3A_159, %swap3A_160, %swap3A_161], %swap3A_164 {strides = array<i32>} : memref<1x1x1152xi32, #tpu.memory_space<vmem>>, vector<1x1x128xi32>,
    %get3A_165 = arith.constant 0 : index
    %get3A_166 = arith.constant 0 : index
    %get3A_167 = arith.constant 768 : index
    %get3A_168 = vector.load %arg1[%get3A_165, %get3A_166, %get3A_167] : memref<1x1x4095xf32, #tpu.memory_space<vmem>>, vector<1x1x128xf32>
    %get3A_169 = vector.shape_cast %get3A_168 : vector<1x1x128xf32> to vector<128xf32>
    %add3A_170 = arith.constant 768 : i32
    %add3A_171 = vector.broadcast %add3A_170 : i32 to vector<128x1xi32>
    %add3A_172 = arith.addi %add3A_171, %iota3A_4 : vector<128x1xi32>
    %broadcast_in_dim3A_173 = vector.shape_cast %get3A_169 : vector<128xf32> to vector<128x1xf32>
    %lt3A_174 = vector.broadcast %broadcast_in_dim3A : vector<1x4095xf32> to vector<128x4095xf32>
    %lt3A_175 = vector.broadcast %broadcast_in_dim3A_173 : vector<128x1xf32> to vector<128x4095xf32>
    %lt3A_176 = arith.cmpf olt, %lt3A_174, %lt3A_175 : vector<128x4095xf32>
    %eq3A_177 = vector.broadcast %broadcast_in_dim3A : vector<1x4095xf32> to vector<128x4095xf32>
    %eq3A_178 = vector.broadcast %broadcast_in_dim3A_173 : vector<128x1xf32> to vector<128x4095xf32>
    %eq3A_179 = arith.cmpf oeq, %eq3A_177, %eq3A_178 : vector<128x4095xf32>
    %lt3A_180 = vector.broadcast %add3A_172 : vector<128x1xi32> to vector<128x4095xi32>
    %lt3A_181 = arith.cmpi slt, %iota3A, %lt3A_180 : vector<128x4095xi32>
    %and3A_182 = arith.andi %eq3A_179, %lt3A_181 : vector<128x4095xi1>
    %or3A_183 = arith.ori %lt3A_176, %and3A_182 : vector<128x4095xi1>
    %convert_element_type3A_184 = arith.extui %or3A_183 : vector<128x4095xi1> to vector<128x4095xi32>
    %reduce_sum3A_185 = arith.constant dense<0> : vector<128xi32>
    %reduce_sum3A_186 = vector.multi_reduction <add>, %convert_element_type3A_184, %reduce_sum3A_185 [1] : vector<128x4095xi32> to vector<128xi32>
    %swap3A_187 = arith.constant 0 : index
    %swap3A_188 = arith.constant 0 : index
    %swap3A_189 = arith.constant 768 : index
    %swap3A_190 = vector.load %arg2[%swap3A_187, %swap3A_188, %swap3A_189] : memref<1x1x1152xi32, #tpu.memory_space<vmem>>, vector<1x1x128xi32>
    %swap3A_191 = vector.shape_cast %swap3A_190 : vector<1x1x128xi32> to vector<128xi32>
    %swap3A_192 = vector.shape_cast %reduce_sum3A_186 : vector<128xi32> to vector<1x1x128xi32>
    tpu.vector_store %arg2[%swap3A_187, %swap3A_188, %swap3A_189], %swap3A_192 {strides = array<i32>} : memref<1x1x1152xi32, #tpu.memory_space<vmem>>, vector<1x1x128xi32>,
    %get3A_193 = arith.constant 0 : index
    %get3A_194 = arith.constant 0 : index
    %get3A_195 = arith.constant 896 : index
    %get3A_196 = vector.load %arg1[%get3A_193, %get3A_194, %get3A_195] : memref<1x1x4095xf32, #tpu.memory_space<vmem>>, vector<1x1x128xf32>
    %get3A_197 = vector.shape_cast %get3A_196 : vector<1x1x128xf32> to vector<128xf32>
    %add3A_198 = arith.constant 896 : i32
    %add3A_199 = vector.broadcast %add3A_198 : i32 to vector<128x1xi32>
    %add3A_200 = arith.addi %add3A_199, %iota3A_4 : vector<128x1xi32>
    %broadcast_in_dim3A_201 = vector.shape_cast %get3A_197 : vector<128xf32> to vector<128x1xf32>
    %lt3A_202 = vector.broadcast %broadcast_in_dim3A : vector<1x4095xf32> to vector<128x4095xf32>
    %lt3A_203 = vector.broadcast %broadcast_in_dim3A_201 : vector<128x1xf32> to vector<128x4095xf32>
    %lt3A_204 = arith.cmpf olt, %lt3A_202, %lt3A_203 : vector<128x4095xf32>
    %eq3A_205 = vector.broadcast %broadcast_in_dim3A : vector<1x4095xf32> to vector<128x4095xf32>
    %eq3A_206 = vector.broadcast %broadcast_in_dim3A_201 : vector<128x1xf32> to vector<128x4095xf32>
    %eq3A_207 = arith.cmpf oeq, %eq3A_205, %eq3A_206 : vector<128x4095xf32>
    %lt3A_208 = vector.broadcast %add3A_200 : vector<128x1xi32> to vector<128x4095xi32>
    %lt3A_209 = arith.cmpi slt, %iota3A, %lt3A_208 : vector<128x4095xi32>
    %and3A_210 = arith.andi %eq3A_207, %lt3A_209 : vector<128x4095xi1>
    %or3A_211 = arith.ori %lt3A_204, %and3A_210 : vector<128x4095xi1>
    %convert_element_type3A_212 = arith.extui %or3A_211 : vector<128x4095xi1> to vector<128x4095xi32>
    %reduce_sum3A_213 = arith.constant dense<0> : vector<128xi32>
    %reduce_sum3A_214 = vector.multi_reduction <add>, %convert_element_type3A_212, %reduce_sum3A_213 [1] : vector<128x4095xi32> to vector<128xi32>
    %swap3A_215 = arith.constant 0 : index
    %swap3A_216 = arith.constant 0 : index
    %swap3A_217 = arith.constant 896 : index
    %swap3A_218 = vector.load %arg2[%swap3A_215, %swap3A_216, %swap3A_217] : memref<1x1x1152xi32, #tpu.memory_space<vmem>>, vector<1x1x128xi32>
    %swap3A_219 = vector.shape_cast %swap3A_218 : vector<1x1x128xi32> to vector<128xi32>
    %swap3A_220 = vector.shape_cast %reduce_sum3A_214 : vector<128xi32> to vector<1x1x128xi32>
    tpu.vector_store %arg2[%swap3A_215, %swap3A_216, %swap3A_217], %swap3A_220 {strides = array<i32>} : memref<1x1x1152xi32, #tpu.memory_space<vmem>>, vector<1x1x128xi32>,
    %get3A_221 = arith.constant 0 : index
    %get3A_222 = arith.constant 0 : index
    %get3A_223 = arith.constant 1024 : index
    %get3A_224 = vector.load %arg1[%get3A_221, %get3A_222, %get3A_223] : memref<1x1x4095xf32, #tpu.memory_space<vmem>>, vector<1x1x128xf32>
    %get3A_225 = vector.shape_cast %get3A_224 : vector<1x1x128xf32> to vector<128xf32>
    %add3A_226 = arith.constant 1024 : i32
    %add3A_227 = vector.broadcast %add3A_226 : i32 to vector<128x1xi32>
    %add3A_228 = arith.addi %add3A_227, %iota3A_4 : vector<128x1xi32>
    %broadcast_in_dim3A_229 = vector.shape_cast %get3A_225 : vector<128xf32> to vector<128x1xf32>
    %lt3A_230 = vector.broadcast %broadcast_in_dim3A : vector<1x4095xf32> to vector<128x4095xf32>
    %lt3A_231 = vector.broadcast %broadcast_in_dim3A_229 : vector<128x1xf32> to vector<128x4095xf32>
    %lt3A_232 = arith.cmpf olt, %lt3A_230, %lt3A_231 : vector<128x4095xf32>
    %eq3A_233 = vector.broadcast %broadcast_in_dim3A : vector<1x4095xf32> to vector<128x4095xf32>
    %eq3A_234 = vector.broadcast %broadcast_in_dim3A_229 : vector<128x1xf32> to vector<128x4095xf32>
    %eq3A_235 = arith.cmpf oeq, %eq3A_233, %eq3A_234 : vector<128x4095xf32>
    %lt3A_236 = vector.broadcast %add3A_228 : vector<128x1xi32> to vector<128x4095xi32>
    %lt3A_237 = arith.cmpi slt, %iota3A, %lt3A_236 : vector<128x4095xi32>
    %and3A_238 = arith.andi %eq3A_235, %lt3A_237 : vector<128x4095xi1>
    %or3A_239 = arith.ori %lt3A_232, %and3A_238 : vector<128x4095xi1>
    %convert_element_type3A_240 = arith.extui %or3A_239 : vector<128x4095xi1> to vector<128x4095xi32>
    %reduce_sum3A_241 = arith.constant dense<0> : vector<128xi32>
    %reduce_sum3A_242 = vector.multi_reduction <add>, %convert_element_type3A_240, %reduce_sum3A_241 [1] : vector<128x4095xi32> to vector<128xi32>
    %swap3A_243 = arith.constant 0 : index
    %swap3A_244 = arith.constant 0 : index
    %swap3A_245 = arith.constant 1024 : index
    %swap3A_246 = vector.load %arg2[%swap3A_243, %swap3A_244, %swap3A_245] : memref<1x1x1152xi32, #tpu.memory_space<vmem>>, vector<1x1x128xi32>
    %swap3A_247 = vector.shape_cast %swap3A_246 : vector<1x1x128xi32> to vector<128xi32>
    %swap3A_248 = vector.shape_cast %reduce_sum3A_242 : vector<128xi32> to vector<1x1x128xi32>
    tpu.vector_store %arg2[%swap3A_243, %swap3A_244, %swap3A_245], %swap3A_248 {strides = array<i32>} : memref<1x1x1152xi32, #tpu.memory_space<vmem>>, vector<1x1x128xi32>,
    return
  }
  func.func @transform_0(%arg0: i32) -> (i32, i32, i32) {
    %c0_i32 = arith.constant 0 : i32
    %c0_i32_0 = arith.constant 0 : i32
    %c0_i32_1 = arith.constant 0 : i32
    return %arg0, %c0_i32, %c0_i32_0 : i32, i32, i32
  }
  func.func @transform_1(%arg0: i32) -> (i32, i32, i32) {
    %c0_i32 = arith.constant 0 : i32
    %c0_i32_0 = arith.constant 0 : i32
    %c0_i32_1 = arith.constant 0 : i32
    return %arg0, %c0_i32, %c0_i32_0 : i32, i32, i32
  }
}

</mosaic_0001>

<sc_bundles>
// kernel: kernel.4.cloned.1.call-start
scs
__scs_entry_jumppad:
0x0: {  	(pc) =	sbr.rel $0x88, $3  }
0x1: {  	(tag) =	ssettag $0x0;
	lr =	simm.s32 $0x1  }
0x2: {  	[smem:$0x3F9E] =	sst lr;
	_ =	strace $0xD0000000  }
0x3: {  	_ = 	snop  }
0x4: {  	_ = 	snop  }
0x5: {  	_ = 	snop  }
0x6: {  	_ = 	snop  }
0x7: {  	_ = 	snop  }
__scs_overlays_trampoline_lowered:
0x8: {  	[smem:$0x3FAD] =	sst s0  }
0x9: {  	[smem:$0x3FAE] =	sst s1  }
0xa: {  	[smem:$0x3FAF] =	sst s2  }
0xb: {  	[smem:$0x3FB0] =	sst s3  }
0xc: {  	[smem:$0x3FB1] =	sst s4  }
0xd: {  	[smem:$0x3FB2] =	sst s5  }
0xe: {  	[smem:$0x3FB3] =	sst s6  }
0xf: {  	[smem:$0x3FB4] =	sst s7  }
0x10: {  	[smem:$0x3FB5] =	sst s8  }
0x11: {  	[smem:$0x3FB6] =	sst s9;
	s0 =	simm.s32 @!p0 $0x0  }
0x12: {  	s1 =	sld [smem:$0x3F9C];
	s0 =	simm.s32 @p0 $0x1  }
0x13: {  	[smem:$0x3FB7] =	sst s0;
	s0 =	simm.s32 @!p1 $0x0  }
0x14: {  	s2 =	sld [smem:$0x3F9B];
	s0 =	simm.s32 @p1 $0x1  }
0x15: {  	[smem:$0x3FB8] =	sst s0;
	s0 =	simm.s32 @!p2 $0x0  }
0x16: {  	s3 =	sld [smem:$0x3FDB];
	s0 =	simm.s32 @p2 $0x1  }
0x17: {  	s4 =	simm.s32 $0x1BF5;
	[smem:$0x3FBA] =	sst s0  }
0x18: {  	s0 =	sld [smem:$0x3F9D];
	_ =	swait.ge [sflag:s4], $0x0  }
0x19: {  	s7 =	sld [smem:$0x3F9E]  }
0x1a: {  	s8 =	sadd.s32 $0xFFFFE003, lr  }
0x1b: {  	s9 =	sadd.s32 $0xFFFFFEF7, lr;
	s5 =	simm.s32 $0xFFFFFFFF;
	p2 =	slt.u32 s8, $0xFFFFF086  }
0x1c: {  	p1 =	slt.u32 s9, $0xF7A;
	s5 =	simm.s32 @!p2 $0x0  }
0x1d: {  	s5 =	simm.s32 @p1 $0x1;
	p0 =	seq.s32 s7, s2  }
0x1e: {  	s7 =	smul.u32 @!p0 $0xF7A, s2;
	p2 =	seq.s32 @!p0 s5, $0x0  }
0x1f: {  	s9 =	smul.u32 $0xF7A, s1;
	s8 =	simm.s32 @!p0 $0x1BF5;
	p2 =	por !p2, p0  }
0x20: {  	[sflag:s8] =	ssyncset.s32 @!p0 $0xFFFFF086;
	s6 =	sadd.s32 @!p0 s3, s7;
	s7 =	simm.s32 @!p0 $0x108  }
0x21: {  	s3 =	sadd.s32 s3, s9;
	s6 =	sadd.s32 @!p0 $0x88, s6;
	s7 =	simm.s32 @p2 $0x1082  }
0x22: {  	[simem:s7], [sflag:s8] =	dma.local @!p0 [hbm:s6], $0xF7A  }
0x23: {  	s9 =	sor.u32 $0xD0000000, s2;
	s6 =	simm.s32 $0x108;
	_ =	swait.ge @!p0 [sflag:s8], $0x0  }
0x24: {  	s3 =	sadd.s32 $0x88, s3;
	s6 =	simm.s32 @!p1 $0x1082;
	[sflag:s4] =	ssyncset.s32 $0xFFFFF086  }
0x25: {  	[simem:s6], [sflag:s4] =	dma.local [hbm:s3], $0xF7A  }
0x26: {  	[smem:$0x3F9E] =	sst s1;
	(tag) =	ssettag s2;
	_ =	strace s9  }
0x27: {  	s1 =	sld [smem:$0x3FAE]  }
0x28: {  	s2 =	sld [smem:$0x3FAF]  }
0x29: {  	s4 =	sld [smem:$0x3FB1]  }
0x2a: {  	p0 =	seq.s32 s5, $0x0;
	s5 =	sld [smem:$0x3FB2]  }
0x2b: {  	s6 =	sld [smem:$0x3FB3]  }
0x2c: {  	s7 =	sld [smem:$0x3FB4]  }
0x2d: {  	s3 =	simm.s32 $0x108;
	s8 =	sld [smem:$0x3FB5]  }
0x2e: {  	s3 =	simm.s32 @!p0 $0x1082;
	s9 =	sld [smem:$0x3FB6]  }
0x2f: {  	lr =	sadd.s32 s0, s3;
	s0 =	sld [smem:$0x3FAD]  }
0x30: {  	s3 =	sld [smem:$0x3FB0]  }
0x31: {  	[smem:$0x3FB9] =	sst s10  }
0x32: {  	s10 =	sld [smem:$0x3FB7];
	_ =	sdelay $0x3  }
0x33: {  	p0 =	seq.s32 s10, $0x1;
	s10 =	sld [smem:$0x3FB9];
	_ =	sdelay $0x3  }
0x34: {  	[smem:$0x3FB9] =	sst s10  }
0x35: {  	s10 =	sld [smem:$0x3FB8];
	_ =	sdelay $0x3  }
0x36: {  	p1 =	seq.s32 s10, $0x1;
	s10 =	sld [smem:$0x3FB9];
	_ =	sdelay $0x3  }
0x37: {  	[smem:$0x3FB9] =	sst s10  }
0x38: {  	s10 =	sld [smem:$0x3FBA]  }
0x39: {  	_ = 	snop;
	(pc) =	sbr.ind lr, $3  }
0x3a: {  	_ = 	snop  }
0x3b: {  	_ = 	snop  }
0x3c: {  	p2 =	seq.s32 s10, $0x1;
	s10 =	sld [smem:$0x3FB9]  }
0x3d: {  	_ =	shalt  }
0x3e: {  	_ =	shalt  }
0x3f: {  	_ =	shalt  }
0x40: {  	_ =	shalt  }
0x41: {  	_ =	shalt  }
0x42: {  	_ =	shalt  }
0x43: {  	_ =	shalt  }
0x44: {  	_ =	shalt  }
0x45: {  	_ =	shalt  }
0x46: {  	_ =	shalt  }
0x47: {  	_ =	shalt  }
0x48: {  	_ =	shalt  }
0x49: {  	_ =	shalt  }
0x4a: {  	_ =	shalt  }
0x4b: {  	_ =	shalt  }
0x4c: {  	_ =	shalt  }
0x4d: {  	_ =	shalt  }
0x4e: {  	_ =	shalt  }
0x4f: {  	_ =	shalt  }
0x50: {  	_ =	shalt  }
0x51: {  	_ =	shalt  }
0x52: {  	_ =	shalt  }
0x53: {  	_ =	shalt  }
0x54: {  	_ =	shalt  }
0x55: {  	_ =	shalt  }
0x56: {  	_ =	shalt  }
0x57: {  	_ =	shalt  }
0x58: {  	_ =	shalt  }
0x59: {  	_ =	shalt  }
0x5a: {  	_ =	shalt  }
0x5b: {  	_ =	shalt  }
0x5c: {  	_ =	shalt  }
0x5d: {  	_ =	shalt  }
0x5e: {  	_ =	shalt  }
0x5f: {  	_ =	shalt  }
0x60: {  	_ =	shalt  }
0x61: {  	_ =	shalt  }
0x62: {  	_ =	shalt  }
0x63: {  	_ =	shalt  }
0x64: {  	_ =	shalt  }
0x65: {  	_ =	shalt  }
0x66: {  	_ =	shalt  }
0x67: {  	_ =	shalt  }
0x68: {  	_ =	shalt  }
0x69: {  	_ =	shalt  }
0x6a: {  	_ =	shalt  }
0x6b: {  	_ =	shalt  }
0x6c: {  	_ =	shalt  }
0x6d: {  	_ =	shalt  }
0x6e: {  	_ =	shalt  }
0x6f: {  	_ =	shalt  }
0x70: {  	_ =	shalt  }
0x71: {  	_ =	shalt  }
0x72: {  	_ =	shalt  }
0x73: {  	_ =	shalt  }
0x74: {  	_ =	shalt  }
0x75: {  	_ =	shalt  }
0x76: {  	_ =	shalt  }
0x77: {  	_ =	shalt  }
0x78: {  	_ =	shalt  }
0x79: {  	_ =	shalt  }
0x7a: {  	_ =	shalt  }
0x7b: {  	_ =	shalt  }
0x7c: {  	_ =	shalt  }
0x7d: {  	_ =	shalt  }
0x7e: {  	_ =	shalt  }
0x7f: {  	_ =	shalt  }
0x80: {  	_ =	shalt  }
0x81: {  	_ =	shalt  }
0x82: {  	_ =	shalt  }
0x83: {  	_ =	shalt  }
0x84: {  	_ =	shalt  }
0x85: {  	_ =	shalt  }
0x86: {  	_ =	shalt  }
0x87: {  	_ =	shalt  }
.Lfunc_end0:
.L_simem_size_0:
called_computation_lowered:
.L_overlay_start_0:
0x88: {  	s2 =	sld [smem:$0x3FD9]  }
0x89: {  	s3 =	sld [smem:$0x3FFE];
	_ =	sdelay $0x1  }
0x8a: {  	s1 =	srdreg.scid  }
0x8b: {  	s0 =	sand.u32 $0x1, s1  }
0x8c: {  	s16 =	sshll.u32 s0, $0xA;
	s2 =	sadd.s32 s3, s2  }
0x8d: {  	s2 =	sadd.s32 s2, s16  }
0x8e: {  	[smem:$0x3FC5] =	sst s2  }
0x8f: {  	_ = 	snop  }
0x90: {  	(tm) =	ssettm $0x1  }
0x91: {  	s17 =	sld [smem:$0x3FFB];
	_ =	sdelay $0x3  }
0x92: {  	_ =	strace s17  }
0x93: {  	s2 =	sld [smem:$0x3FFC];
	_ =	sdelay $0x3  }
0x94: {  	_ =	strace s2  }
0x95: {  	s2 =	sld [smem:$0x3FFD];
	_ =	sdelay $0x3  }
0x96: {  	_ =	strace s2  }
0x97: {  	_ =	strace $0x8FFFFFFF  }
0x98: {  	s18 =	sld [smem:$0x3FDB];
	_ =	sdelay $0x1  }
0x99: {  	s19 =	simm.s32 $_scs_section_size  }
0x9a: {  	s4 =	simm.s32 $_size__tile_overlayer_lowered;
	s5 =	simm.s32 $_tile_overlayer_lowered  }
0x9b: {  	s22 =	simm.s32 $0x1BFF;
	s21 =	sshll.u32 s5, $0x1;
	s2 =	sadd.s32 s19, s18  }
0x9c: {  	s6 =	simm.s32 $0x0;
	s20 =	sshll.u32 s4, $0x1;
	s4 =	sadd.s32 s21, s2  }
0x9d: {  	[timem:s6], [sflag:s22] =	dma.local [hbm:s4], s20  }
0x9e: {  	_ =	swait.ge [sflag:s22], s20  }
0x9f: {  	s3 =	ssub.s32 $0x0, s20;
	[sflag:s22] =	ssyncset.done $0x0  }
0xa0: {  	[sflag:s22] =	ssyncadd.s32 s3;
	_ =	sdelay $0x1  }
0xa1: {  	s23 =	simm.s32 $0x1B8B  }
0xa2: {  	_ =	swait.ge [sflag:s23], $0x1  }
0xa3: {  	[sflag:s23] =	ssyncset.done $0x0  }
0xa4: {  	s25 =	simm.s32 $0x1B8E;
	s24 =	sld [smem:$0x3FFE];
	[sflag:s23] =	ssyncadd.s32 $0xFFFFFFFF  }
0xa5: {  	s26 =	simm.s32 $execute0_lowered;
	[smem:$0x3FD2] =	sst s25  }
0xa6: {  	s4 =	sshll.u32 s26, $0x1;
	_ =	strace $0x80000046;
	[dreg:$0x1] =	wrdreg $0xFFFFFFFF  }
0xa7: {  	s28 =	simm.s32 $_size_execute0_lowered;
	s2 =	sadd.s32 s2, s4;
	[dreg:$0x0] =	wrdreg $0x0  }
0xa8: {  	s4 =	sshll.u32 s28, $0x1;
	[dreg:$0x2] =	wrdreg s2  }
0xa9: {  	[dreg:$0x3] =	wrdreg s4  }
0xaa: {  	[dreg:$0x4] =	wrdreg $0xC0  }
0xab: {  	_ =	task [dreg:s6], $0x5FFFF  }
0xac: {  	[dreg:$0x1] =	wrdreg $0xFFFFFFFF  }
0xad: {  	[dreg:$0x0] =	wrdreg $0x60  }
0xae: {  	[dreg:$0x2] =	wrdreg s24  }
0xaf: {  	[dreg:$0x3] =	wrdreg $0x9  }
0xb0: {  	_ =	task.clear_ibuf [dreg:s6], $0x4FFFF;
	_ =	strace $0x90000046  }
0xb1: {  	s29 =	simm.s32 $0x9;
	_ =	strace $0x80000048  }
0xb2: {  	_ =	swait.ge [sflag:s29], $0x1  }
0xb3: {  	[sflag:s29] =	ssyncadd.s32 $0xFFFFFFFF  }
0xb4: {  	_ =	strace $0x90000048  }
0xb5: {  	_ =	sfence  }
0xb6: {  	s30 =	sld [smem:$0x0];
	_ =	sdelay $0x2  }
0xb7: {  	s31 =	sshll.u32 s1, $0xD;
	s1 =	sshrl.u32 s1, $0x2  }
0xb8: {  	s3 =	sand.u32 $0x4000, s31;
	s1 =	sadd.s32 s1, s30  }
0xb9: {  	s0 =	sor.u32 s3, s0;
	s1 =	sshll.u32 s1, $0x11  }
0xba: {  	s0 =	sor.u32 s1, s0  }
0xbb: {  	s0 =	sadd.s32 $0x8F2B, s0  }
0xbc: {  	[sflag:s0] =	ssyncadd.remote.s32 $0x1  }
0xbd: {  	_ =	sfence.sel $0xFFFF  }
0xbe: {  	[dreg:$0x0] =	wrdreg $0xFFFFFFFF;
	(pc) =	sbr.abs _section_cstart, $3  }
0xbf: {  	[dreg:$0x1] =	wrdreg $0xFFFFFFFF  }
0xc0: {  	_ =	task.clear_ibuf [dreg:s6], $0x2FFFF;
	_ =	strace $0x9FFFFFFF  }
0xc1: {  	(tm) =	ssettm $0x7FFFFFFF  }
tec
execute0_lowered:
.L_overlay_start_1:
0x0: {  	(tag) =	ssettag $0x1  }
0x1: {  	s1 =	stileid.u32  }
0x2: {  	p0 =	sgt.u32 s1, $0x1  }
.Ltmp0:
0x3: {  	_ = 	snop;
	(pc) =	sbr.rel @p0 .LBB2_7-.Ltmp0, $4  }
0x4: {  	_ = 	snop  }
0x5: {  	s4 =	rddreg [dreg:$0x0];
	s2 =	simm.s32 $0x0  }
0x6: {  	[smem:$0x7FF] =	sst s2  }
0x7: {  	s0 =	rddreg [dreg:$0x1];
	_ =	strace $0x80000047  }
0x8: {  	s3 =	srdreg.scid  }
0x9: {  	s5 =	sshll.u32 s1, $0x1;
	s3 =	sand.u32 $0x1, s3  }
0xa: {  	s8 =	simm.s32 $0x80;
	s5 =	sor.u32 s3, s5  }
0xb: {  	v0 =	vlaneseq.u32;
	s9 =	simm.s32 $0x200;
	s7 =	ssub.s32 $0x2, s3;
	s6 =	sshll.u32 s5, $0x4  }
0xc: {  	v2 =	vmul.u32 $0xFFFFFFFF, v0;
	s31 =	sshrl.u32 s7, $0x1;
	s5 =	smul.u32 $0x90, s5;
	s30 =	sadd.s32 s6, s4  }
0xd: {  	s6 =	ssub.s32 s7, s31;
	s7 =	simm.s32 $0x480;
	s3 =	sadd.s32 $0x400, s30  }
0xe: {  	v1 =	vimm.f32 $0.0e+00;
	v3 =	vimm.f32 $1.000000000e+00;
	v2 =	vadd.s32 $0x401, v2;
	s4 =	sadd.s32 s4, s5;
	s5 =	smax.u32 s6, $0x1;
	s6 =	simm.s32 $0x1  }
.LBB2_2:
0xf: {  	s10 =	simm.s32 $0x0  }
0x10: {  	[tilespmem:s10], [sflag:$0x1] =	stream.linear.gather [hbm4b:s4+s10], $0x480, $0x38;
	[tilespmem:$0x1480] =	vst v63  }
0x11: {  	_ =	swait.ge [sflag:s6], $0x480  }
0x12: {  	[sflag:s6] =	ssyncset.done $0x0  }
0x13: {  	s11 =	simm.s32 $0x40;
	s12 =	simm.s32 $0x0;
	[sflag:s6] =	ssyncadd.s32 $0xFFFFFB80  }
.LBB2_3:
0x14: {  	p0 =	sne.s32 s11, $0x3FC0;
	[tilespmem:s12+$0x480] =	vst v1;
	s12 =	smov.u32 s11;
	s11 =	sadd.s32 $0x40, s11  }
.Ltmp1:
0x15: {  	(pc) =	sbr.rel @p0 .LBB2_3-.Ltmp1, $2  }
0x16: {  	_ =	sdelay $0x2  }
0x17: {  	s12 =	sshra.s32 s12, $0x2  }
0x18: {  	[tilespmem:s12+$0x480] =	vst v1  }
0x19: {  	s11 =	simm.s32 $0x10;
	s12 =	simm.s32 $0x0;
	v4 =	vld [tilespmem:s10+$0x0]  }
.LBB2_5:
0x1a: {  	p0 =	sne.s32 s11, $0x470;
	_ =	sdelay $0x1  }
0x1b: {  	v5 =	vmov s10;
	s10 =	smov.u32 s11  }
0x1c: {  	vm0 =	vlt.u32 v5, v2  }
0x1d: {  	v4 =	vadd.s32 $0x1, v4;
	_ =	sdelay $0x1  }
.Ltmp2:
0x1e: {  	(pc) =	sbr.rel @p0 .LBB2_5-.Ltmp2, $3  }
0x1f: {  	_ =	sdelay $0x1  }
0x20: {  	s12 =	sadd.s32 $0x10, s12;
	[tilespmem:v4+s7+$0x0] =	vst.idx.msk vm0, v3  }
0x21: {  	s11 =	sadd.s32 $0x10, s11;
	v4 =	vld [tilespmem:s12+$0x0]  }
0x22: {  	_ =	sdelay $0x1  }
0x23: {  	v5 =	vmov s10  }
0x24: {  	vm0 =	vlt.u32 v5, v2  }
0x25: {  	v4 =	vadd.s32 $0x1, v4;
	_ =	sdelay $0x4  }
0x26: {  	[tilespmem:v4+s7+$0x0] =	vst.idx.msk vm0, v3  }
0x27: {  	v4 =	vld [tilespmem:$0x480];
	_ =	sdelay $0x3  }
0x28: {  	vm15 =	veq.s32 v0, $0x0;
	s2 =	sadd.s32 $0x1, s2  }
0x29: {  	p0 =	sne.s32 s2, s5;
	v4 =	vsel vm15, $0x3F800000, v4  }
.Ltmp3:
0x2a: {  	[tilespmem:$0x480] =	vst v4;
	(pc) =	sbr.rel @p0 .LBB2_2-.Ltmp3, $4  }
0x2b: {  	[hbm4b:s3+s8] =	stream.strided.scatter [tilespmem:s7], [sflag:$0x1], $0x1000, s9, s8, $0x38;
	[tilespmem:$0x1480] =	vst v63  }
0x2c: {  	_ =	swait.ge [sflag:s6], $0x1000  }
0x2d: {  	[sflag:s6] =	ssyncset.done $0x0  }
0x2e: {  	[sflag:s6] =	ssyncadd.s32 $0xFFFFF000  }
.LBB2_7:
0x2f: {  	_ =	sfence.sel $0x180000  }
0x30: {  	[bflag:$0x0] =	sbarrier.arrive $0xFFFF  }
0x31: {  	p0 =	sne.s32 s1, $0x0;
	_ =	strace $0x90000047  }
0x32: {  	s0 =	sadd.s32 @!p0 $0x100000, s0;
	[bflag:$0x2] =	sbarrier.arrive $0xFFFF  }
0x33: {  	[sflag:s0] =	ssyncadd.tile.s32 @!p0 $0x1;
	_ =	shalt  }
.Lfunc_end2:
_tile_overlayer_lowered:
.L_overlay_start_2:
0x34: {  	(tag) =	ssettag $0x2  }
0x35: {  	s0 =	rddreg [dreg:$0x0];
	s2 =	stileid.u32  }
0x36: {  	s1 =	rddreg [dreg:$0x1];
	p0 =	sne.s32 s2, $0x0  }
0x37: {  	s3 =	rddreg [dreg:$0x2];
	[bflag:$0x3] =	sbarrier.arrive $0xFFFF;
	s2 =	simm.s32 @!p0 $0x1C01  }
0x38: {  	[timem:s3], [sflag:s2] =	dma.local @!p0 [hbm:s0], s1  }
0x39: {  	s0 =	simm.s32 @!p0 $0x1  }
0x3a: {  	_ =	swait.ge @!p0 [sflag:s0], s1  }
0x3b: {  	s1 =	ssub.s32 @!p0 $0x0, s1;
	[sflag:s0] =	ssyncset.done @!p0 $0x0  }
0x3c: {  	[sflag:s0] =	ssyncadd.s32 @!p0 s1  }
0x3d: {  	[bflag:$0x3] =	sbarrier.arrive $0xFFFF  }
0x3e: {  	_ =	shalt  }

</sc_bundles>
